<compile_context>
chip_gen: v7x
topology: tpu7x:2x2x1
jax: 0.10.2.dev20260603
libtpu: 0.0.44.dev20260713+nightly
codegen_flags: <defaults>
</compile_context>

<pallas_src>
import functools

import jax
import jax.numpy as jnp
from jax import lax
from jax.experimental import pallas as pl
from jax.experimental.pallas import tpu as pltpu
from jax.experimental.pallas import tpu_sc as plsc

N_CODES = 8192
DIM = 32
N_INPUTS = 8192
BLK_IN = 8192
BLK_CODE = 1024
N_BLOCKS = N_INPUTS // BLK_IN
N_CHUNKS = N_CODES // BLK_CODE


def _argmin_body(xt_ref, emb_ref, en_ref, xn_ref, idx_ref, loss_ref):
    xt = xt_ref[...]
    xn = xn_ref[0]

    def tile_minarg(t):
        e2 = emb_ref[pl.ds(t * BLK_CODE, BLK_CODE), :]
        en = en_ref[pl.ds(t * BLK_CODE, BLK_CODE), :]
        mm = lax.dot_general(e2, xt, (((1,), (0,)), ((), ())),
                             preferred_element_type=jnp.float32)
        d2 = (xn + en) + mm
        tmin2 = jnp.min(d2, axis=0, keepdims=True)
        tidx = jnp.argmin(d2, axis=0)[None, :] + t * BLK_CODE
        tmin = jnp.sqrt(jnp.maximum(tmin2, 0.0))
        return tmin, tidx

    def chunk_step(c, carry):
        bq, bi, fv = carry
        tpc = 2048 // BLK_CODE
        cmin, cidx = tile_minarg(tpc * c)
        for u in range(1, tpc):
            tmin, tidx = tile_minarg(tpc * c + u)
            b = tmin < cmin
            cmin = jnp.where(b, tmin, cmin)
            cidx = jnp.where(b, tidx, cidx)
        upd = cmin < bq
        bq = jnp.where(upd, cmin.astype(jnp.bfloat16).astype(jnp.float32), bq)
        bi = jnp.where(upd, cidx, bi)
        return (bq, bi, jnp.minimum(fv, cmin))

    init = (jnp.full((1, BLK_IN), jnp.inf, jnp.float32),
            jnp.zeros((1, BLK_IN), jnp.int32),
            jnp.full((1, BLK_IN), jnp.inf, jnp.float32))
    _, best_i, best_d = lax.fori_loop(0, N_CHUNKS // 2, chunk_step, init)
    idx_ref[0] = best_i

    pid = pl.program_id(0)

    @pl.when(pid == 0)
    def _init():
        loss_ref[...] = jnp.zeros((1, 1), jnp.float32)

    loss_ref[...] = loss_ref[...] + jnp.sum(best_d * best_d).reshape(1, 1)

    @pl.when(pid == N_BLOCKS - 1)
    def _finish():
        loss_ref[...] = loss_ref[...] * (1.0 / (N_INPUTS * DIM))


_argmin_call = pl.pallas_call(
    _argmin_body,
    grid=(N_BLOCKS,),
    in_specs=[
        pl.BlockSpec((DIM, BLK_IN), lambda i: (0, i)),
        pl.BlockSpec((N_CODES, DIM), lambda i: (0, 0)),
        pl.BlockSpec((N_CODES, 1), lambda i: (0, 0)),
        pl.BlockSpec((1, 1, BLK_IN), lambda i: (i, 0, 0)),
    ],
    out_specs=[
        pl.BlockSpec((1, 1, BLK_IN), lambda i: (i, 0, 0)),
        pl.BlockSpec((1, 1), lambda i: (0, 0)),
    ],
    out_shape=[
        jax.ShapeDtypeStruct((N_BLOCKS, 1, BLK_IN), jnp.int32),
        jax.ShapeDtypeStruct((1, 1), jnp.float32),
    ],
)


_SC_WORKERS = 32
_ROWS_PER_W = N_INPUTS // _SC_WORKERS


@functools.lru_cache(maxsize=1)
def _make_sc_gather():
    @functools.partial(
        pl.kernel,
        mesh=plsc.VectorSubcoreMesh(core_axis_name="c", subcore_axis_name="s"),
        out_type=jax.ShapeDtypeStruct((N_INPUTS, DIM), jnp.float32),
        scratch_types=[
            pltpu.VMEM((_ROWS_PER_W,), jnp.int32),
            pltpu.VMEM((_ROWS_PER_W, DIM), jnp.float32),
            pltpu.SemaphoreType.DMA,
        ],
        compiler_params=pltpu.CompilerParams(use_tc_tiling_on_sc=False),
    )
    def _sc_gather(table_hbm, idx_hbm, out_hbm, idx_v, rows_v, sem):
        wid = lax.axis_index("s") * 2 + lax.axis_index("c")
        base = wid * _ROWS_PER_W
        pltpu.sync_copy(idx_hbm.at[pl.ds(base, _ROWS_PER_W)], idx_v)
        pltpu.async_copy(table_hbm.at[idx_v], rows_v, sem).wait()
        pltpu.sync_copy(rows_v, out_hbm.at[pl.ds(base, _ROWS_PER_W)])

    return _sc_gather


def kernel(inputs, embeddings):
    input_shape = inputs.shape
    flat = inputs.reshape(-1, DIM)
    xn = jnp.sum(flat ** 2, axis=1)
    en = jnp.sum(embeddings ** 2, axis=1, keepdims=True)
    idx3, loss = _argmin_call(flat.T.astype(jnp.bfloat16), -2.0 * embeddings,
                              en, xn.reshape(N_BLOCKS, 1, BLK_IN))
    idx = idx3.reshape(N_INPUTS)
    quant = _make_sc_gather()(embeddings, idx).reshape(input_shape)
    return (quant, loss[0, 0], idx)

# --- scband reference (transcript-rebuilt; emitter-appended) ---
"""Pipeline reference for scband-enhanced-vector-quantizer-8409545965991 (READ-ONLY COPY).

The authoritative reference and input builder live on the scoring server;
editing this copy changes nothing except your own understanding.
"""

import jax, jax.numpy as jnp
import numpy as np

NUM_EMBEDDINGS = 8192
EMBEDDING_DIM = 32

def setup_inputs(seed: int = 0) -> dict:
    key = jax.random.key(seed)
    k1, k2 = jax.random.split(key)
    inputs = jax.random.normal(k1, (8, 1024, EMBEDDING_DIM), dtype=jnp.float32)
    embeddings = jax.random.normal(k2, (NUM_EMBEDDINGS, EMBEDDING_DIM), dtype=jnp.float32)
    return {"inputs": inputs, "embeddings": embeddings}

def compute_distances(flat_input, embeddings):
    input_norm = jnp.sum(flat_input ** 2, axis=1, keepdims=True)
    emb_norm = jnp.sum(embeddings ** 2, axis=1, keepdims=True)
    distances = input_norm + emb_norm.T - 2.0 * jnp.matmul(flat_input, embeddings.T)
    return jnp.sqrt(jnp.maximum(distances, 0.0))

def reference(inputs, embeddings):
    input_shape = inputs.shape
    flat_input = inputs.reshape(-1, EMBEDDING_DIM)
    distances = compute_distances(flat_input, embeddings)
    encoding_indices = jnp.argmin(distances, axis=1)
    quantized = jnp.take(embeddings, encoding_indices, axis=0).reshape(input_shape)
    # use_commitment=False branch: loss = mse(quantized.detach(), inputs)
    loss = jnp.mean((jax.lax.stop_gradient(quantized) - inputs) ** 2)
    # straight-through estimator
    quantized_st = inputs + jax.lax.stop_gradient(quantized - inputs)
    return (quantized_st, loss, encoding_indices)

if __name__ == "__main__":
    import jax
    _d = setup_inputs()
    print(jax.jit(kernel)(*tuple(_d.values())))

</pallas_src>

<mosaic_0001>
#map = affine_map<(d0, d1) -> (0, 0)>
#map1 = affine_map<(d0, d1) -> (0)>
module attributes {stable_mosaic.version = 14 : i64} {
  func.func @_sc_gather(%arg0: i32, %arg1: i32, %arg2: memref<8192x32xf32, #tpu.memory_space<hbm>>, %arg3: memref<8192xi32, #tpu.memory_space<hbm>>, %arg4: memref<8192x32xf32, #tpu.memory_space<hbm>>, %arg5: memref<256xi32, #tpu.memory_space<vmem>>, %arg6: memref<256x32xf32, #tpu.memory_space<vmem>>, %arg7: memref<!tpu.dma_semaphore, #tpu.memory_space<semaphore_mem>>) attributes {dimension_semantics = [#tpu.dimension_semantics<core_parallel>, #tpu.dimension_semantics<subcore_parallel>], iteration_bounds = array<i64: 2, 16>, scalar_prefetch = 0 : i64, scratch_operands = 3 : i64, tpu.core_type = #tpu.core_type<sc_vector_subcore>, window_params = [{transform_indices = #map}, {transform_indices = #map1}, {transform_indices = #map}]} {
    %mul3A = arith.constant 2 : i32
    %mul3A_0 = arith.muli %arg1, %mul3A : i32
    %add3A = arith.addi %mul3A_0, %arg0 : i32
    %mul3A_1 = arith.constant 256 : i32
    %mul3A_2 = arith.muli %add3A, %mul3A_1 : i32
    "tpu.region"() ({
      %run_scoped3A = tpu.sem_alloc : memref<!tpu.dma_semaphore, #tpu.memory_space<semaphore_mem>>
      %dma_start3A_7 = tpu.memref_slice %arg3[%mul3A_2] : memref<8192xi32, #tpu.memory_space<hbm>> -> memref<256xi32, #tpu.memory_space<hbm>>
      %dma_start3A_8 = tpu.memref_slice %arg3[%mul3A_2] : memref<8192xi32, #tpu.memory_space<hbm>> -> memref<256xi32, #tpu.memory_space<hbm>>
      tpu.enqueue_dma source(%dma_start3A_8 : memref<256xi32, #tpu.memory_space<hbm>>) target(%arg5 : memref<256xi32, #tpu.memory_space<vmem>>) target_semaphore(%run_scoped3A : memref<!tpu.dma_semaphore, #tpu.memory_space<semaphore_mem>>)
      %dma_wait3A_9 = tpu.memref_slice %arg3[%mul3A_2] : memref<8192xi32, #tpu.memory_space<hbm>> -> memref<256xi32, #tpu.memory_space<hbm>>
      %dma_wait3A_10 = tpu.memref_slice %arg3[%mul3A_2] : memref<8192xi32, #tpu.memory_space<hbm>> -> memref<256xi32, #tpu.memory_space<hbm>>
      tpu.wait_dma2 semaphore(%run_scoped3A : memref<!tpu.dma_semaphore, #tpu.memory_space<semaphore_mem>>) src(%dma_wait3A_10 : memref<256xi32, #tpu.memory_space<hbm>>) dst(%arg5 : memref<256xi32, #tpu.memory_space<vmem>>)
      tpu.yield
    }) : () -> ()
    %dma_start3A = arith.constant 0 : i32
    %dma_start3A_3 = arith.constant 0 : i32
    %dma_start3A_4 = tpu.memref_slice %arg2[%dma_start3A, %dma_start3A_3] : memref<8192x32xf32, #tpu.memory_space<hbm>> -> memref<8192x32xf32, #tpu.memory_space<hbm>>
    tpu.enqueue_indirect_dma source(%dma_start3A_4 : memref<8192x32xf32, #tpu.memory_space<hbm>>) target(%arg6 : memref<256x32xf32, #tpu.memory_space<vmem>>) offsets(%arg5 : memref<256xi32, #tpu.memory_space<vmem>>) semaphore(%arg7 : memref<!tpu.dma_semaphore, #tpu.memory_space<semaphore_mem>>)
    %dma_wait3A = arith.constant 0 : i32
    %dma_wait3A_5 = arith.constant 0 : i32
    %dma_wait3A_6 = tpu.memref_slice %arg2[%dma_wait3A, %dma_wait3A_5] : memref<8192x32xf32, #tpu.memory_space<hbm>> -> memref<8192x32xf32, #tpu.memory_space<hbm>>
    tpu.wait_indirect_dma semaphore(%arg7 : memref<!tpu.dma_semaphore, #tpu.memory_space<semaphore_mem>>) src(%dma_wait3A_6 : memref<8192x32xf32, #tpu.memory_space<hbm>>) dst(%arg6 : memref<256x32xf32, #tpu.memory_space<vmem>>)
    "tpu.region"() ({
      %run_scoped3A = tpu.sem_alloc : memref<!tpu.dma_semaphore, #tpu.memory_space<semaphore_mem>>
      %dma_start3A_7 = arith.constant 0 : i32
      %dma_start3A_8 = tpu.memref_slice %arg4[%mul3A_2, %dma_start3A_7] : memref<8192x32xf32, #tpu.memory_space<hbm>> -> memref<256x32xf32, #tpu.memory_space<hbm>>
      %dma_start3A_9 = arith.constant 0 : i32
      %dma_start3A_10 = tpu.memref_slice %arg4[%mul3A_2, %dma_start3A_9] : memref<8192x32xf32, #tpu.memory_space<hbm>> -> memref<256x32xf32, #tpu.memory_space<hbm>>
      tpu.enqueue_dma source(%arg6 : memref<256x32xf32, #tpu.memory_space<vmem>>) target(%dma_start3A_10 : memref<256x32xf32, #tpu.memory_space<hbm>>) target_semaphore(%run_scoped3A : memref<!tpu.dma_semaphore, #tpu.memory_space<semaphore_mem>>)
      %dma_wait3A_11 = arith.constant 0 : i32
      %dma_wait3A_12 = tpu.memref_slice %arg4[%mul3A_2, %dma_wait3A_11] : memref<8192x32xf32, #tpu.memory_space<hbm>> -> memref<256x32xf32, #tpu.memory_space<hbm>>
      %dma_wait3A_13 = arith.constant 0 : i32
      %dma_wait3A_14 = tpu.memref_slice %arg4[%mul3A_2, %dma_wait3A_13] : memref<8192x32xf32, #tpu.memory_space<hbm>> -> memref<256x32xf32, #tpu.memory_space<hbm>>
      tpu.wait_dma2 semaphore(%run_scoped3A : memref<!tpu.dma_semaphore, #tpu.memory_space<semaphore_mem>>) src(%arg6 : memref<256x32xf32, #tpu.memory_space<vmem>>) dst(%dma_wait3A_14 : memref<256x32xf32, #tpu.memory_space<hbm>>)
      tpu.yield
    }) : () -> ()
    return
  }
}

module attributes {stable_mosaic.version = 14 : i64} {
  func.func @_argmin_body(%arg0: i32, %arg1: memref<32x8192xbf16, #tpu.memory_space<vmem>>, %arg2: memref<8192x32xf32, #tpu.memory_space<vmem>>, %arg3: memref<8192x1xf32, #tpu.memory_space<vmem>>, %arg4: memref<1x1x8192xf32, #tpu.memory_space<vmem>>, %arg5: memref<1x1x8192xi32, #tpu.memory_space<vmem>>, %arg6: memref<1x1xf32, #tpu.memory_space<vmem>>) attributes {dimension_semantics = [#tpu.dimension_semantics<arbitrary>], iteration_bounds = array<i64: 1>, scalar_prefetch = 0 : i64, scratch_operands = 0 : i64, tpu.core_type = #tpu.core_type<tc>, window_params = [{transform_indices = @transform_0, window_bounds = array<i64: 32, 8192>}, {pipeline_mode = #tpu.pipeline_mode<synchronous>, transform_indices = @transform_1, window_bounds = array<i64: 8192, 32>}, {pipeline_mode = #tpu.pipeline_mode<synchronous>, transform_indices = @transform_2, window_bounds = array<i64: 8192, 1>}, {transform_indices = @transform_3, window_bounds = array<i64: 1, 1, 8192>}, {transform_indices = @transform_4, window_bounds = array<i64: 1, 1, 8192>}, {pipeline_mode = #tpu.pipeline_mode<synchronous>, transform_indices = @transform_5, window_bounds = array<i64: 1, 1>}]} {
    %get3A = arith.constant 0 : index
    %get3A_0 = arith.constant 0 : index
    %get3A_1 = vector.load %arg1[%get3A, %get3A_0] : memref<32x8192xbf16, #tpu.memory_space<vmem>>, vector<32x8192xbf16>
    %get3A_2 = arith.constant 0 : index
    %get3A_3 = arith.constant 0 : index
    %get3A_4 = arith.constant 0 : index
    %get3A_5 = vector.load %arg4[%get3A_2, %get3A_3, %get3A_4] : memref<1x1x8192xf32, #tpu.memory_space<vmem>>, vector<1x1x8192xf32>
    %get3A_6 = vector.shape_cast %get3A_5 : vector<1x1x8192xf32> to vector<1x8192xf32>
    %broadcast_in_dim3A = arith.constant 0x7F800000 : f32
    %broadcast_in_dim3A_7 = vector.broadcast %broadcast_in_dim3A : f32 to vector<1x8192xf32>
    %broadcast_in_dim3A_8 = arith.constant 0 : i32
    %broadcast_in_dim3A_9 = vector.broadcast %broadcast_in_dim3A_8 : i32 to vector<1x8192xi32>
    %broadcast_in_dim3A_10 = arith.constant 0x7F800000 : f32
    %broadcast_in_dim3A_11 = vector.broadcast %broadcast_in_dim3A_10 : f32 to vector<1x8192xf32>
    %scan3A = arith.constant 0 : i32
    %scan3A_12 = arith.constant 4 : i32
    %scan3A_13 = arith.addi %scan3A, %scan3A_12 : i32
    %scan3A_14 = arith.constant 1 : i32
    %scan3A_15:3 = scf.for %scan3A_39 = %scan3A to %scan3A_13 step %scan3A_14 iter_args(%scan3A_40 = %broadcast_in_dim3A_7, %scan3A_41 = %broadcast_in_dim3A_9, %scan3A_42 = %broadcast_in_dim3A_11) -> (vector<1x8192xf32>, vector<1x8192xi32>, vector<1x8192xf32>)  : i32 {
      %mul3A_43 = arith.constant 2 : i32
      %mul3A_44 = arith.muli %mul3A_43, %scan3A_39 : i32
      %mul3A_45 = arith.constant 1024 : i32
      %mul3A_46 = arith.muli %mul3A_44, %mul3A_45 : i32
      %get3A_47 = arith.index_cast %mul3A_46 : i32 to index
      %get3A_48 = arith.constant 0 : index
      %get3A_49 = vector.load %arg2[%get3A_47, %get3A_48] : memref<8192x32xf32, #tpu.memory_space<vmem>>, vector<1024x32xf32>
      %mul3A_50 = arith.constant 1024 : i32
      %mul3A_51 = arith.muli %mul3A_44, %mul3A_50 : i32
      %get3A_52 = arith.index_cast %mul3A_51 : i32 to index
      %get3A_53 = arith.constant 0 : index
      %get3A_54 = vector.load %arg3[%get3A_52, %get3A_53] : memref<8192x1xf32, #tpu.memory_space<vmem>>, vector<1024x1xf32>
      %dot_general3A = arith.constant dense<0.000000e+00> : vector<1024x8192xf32>
      %dot_general3A_55 = tpu.matmul %get3A_49, %get3A_1, %dot_general3A {dimension_numbers = #tpu.dot_dimension_numbers<[1], [0], [0], [1], [0, 0, 1, 1], [], []>, transpose_lhs_hint = false} : vector<1024x32xf32>, vector<32x8192xbf16>, vector<1024x8192xf32> -> vector<1024x8192xf32>
      %add3A_56 = vector.broadcast %get3A_6 : vector<1x8192xf32> to vector<1024x8192xf32>
      %add3A_57 = vector.broadcast %get3A_54 : vector<1024x1xf32> to vector<1024x8192xf32>
      %add3A_58 = arith.addf %add3A_56, %add3A_57 : vector<1024x8192xf32>
      %add3A_59 = arith.addf %add3A_58, %dot_general3A_55 : vector<1024x8192xf32>
      %reduce_min3A = arith.constant dense<0x7F800000> : vector<8192xf32>
      %reduce_min3A_60 = vector.multi_reduction <minimumf>, %add3A_59, %reduce_min3A [0] : vector<1024x8192xf32> to vector<8192xf32>
      %broadcast_in_dim3A_61 = vector.shape_cast %reduce_min3A_60 : vector<8192xf32> to vector<1x8192xf32>
      %argmin3A = tpu.reduce_index %add3A_59 {axis = 0 : i32, kind = #tpu.reduction_kind<arg_min>} : vector<1024x8192xf32> -> vector<8192xi32>
      %broadcast_in_dim3A_62 = vector.shape_cast %argmin3A : vector<8192xi32> to vector<1x8192xi32>
      %mul3A_63 = arith.constant 1024 : i32
      %mul3A_64 = arith.muli %mul3A_44, %mul3A_63 : i32
      %add3A_65 = vector.broadcast %mul3A_64 : i32 to vector<1x8192xi32>
      %add3A_66 = arith.addi %broadcast_in_dim3A_62, %add3A_65 : vector<1x8192xi32>
      %max3A = arith.constant 0.000000e+00 : f32
      %max3A_67 = vector.broadcast %max3A : f32 to vector<1x8192xf32>
      %max3A_68 = arith.maximumf %broadcast_in_dim3A_61, %max3A_67 : vector<1x8192xf32>
      %sqrt3A = math.sqrt %max3A_68 : vector<1x8192xf32>
      %mul3A_69 = arith.constant 2 : i32
      %mul3A_70 = arith.muli %mul3A_69, %scan3A_39 : i32
      %add3A_71 = arith.constant 1 : i32
      %add3A_72 = arith.addi %mul3A_70, %add3A_71 : i32
      %mul3A_73 = arith.constant 1024 : i32
      %mul3A_74 = arith.muli %add3A_72, %mul3A_73 : i32
      %get3A_75 = arith.index_cast %mul3A_74 : i32 to index
      %get3A_76 = arith.constant 0 : index
      %get3A_77 = vector.load %arg2[%get3A_75, %get3A_76] : memref<8192x32xf32, #tpu.memory_space<vmem>>, vector<1024x32xf32>
      %mul3A_78 = arith.constant 1024 : i32
      %mul3A_79 = arith.muli %add3A_72, %mul3A_78 : i32
      %get3A_80 = arith.index_cast %mul3A_79 : i32 to index
      %get3A_81 = arith.constant 0 : index
      %get3A_82 = vector.load %arg3[%get3A_80, %get3A_81] : memref<8192x1xf32, #tpu.memory_space<vmem>>, vector<1024x1xf32>
      %dot_general3A_83 = arith.constant dense<0.000000e+00> : vector<1024x8192xf32>
      %dot_general3A_84 = tpu.matmul %get3A_77, %get3A_1, %dot_general3A_83 {dimension_numbers = #tpu.dot_dimension_numbers<[1], [0], [0], [1], [0, 0, 1, 1], [], []>, transpose_lhs_hint = false} : vector<1024x32xf32>, vector<32x8192xbf16>, vector<1024x8192xf32> -> vector<1024x8192xf32>
      %add3A_85 = vector.broadcast %get3A_6 : vector<1x8192xf32> to vector<1024x8192xf32>
      %add3A_86 = vector.broadcast %get3A_82 : vector<1024x1xf32> to vector<1024x8192xf32>
      %add3A_87 = arith.addf %add3A_85, %add3A_86 : vector<1024x8192xf32>
      %add3A_88 = arith.addf %add3A_87, %dot_general3A_84 : vector<1024x8192xf32>
      %reduce_min3A_89 = arith.constant dense<0x7F800000> : vector<8192xf32>
      %reduce_min3A_90 = vector.multi_reduction <minimumf>, %add3A_88, %reduce_min3A_89 [0] : vector<1024x8192xf32> to vector<8192xf32>
      %broadcast_in_dim3A_91 = vector.shape_cast %reduce_min3A_90 : vector<8192xf32> to vector<1x8192xf32>
      %argmin3A_92 = tpu.reduce_index %add3A_88 {axis = 0 : i32, kind = #tpu.reduction_kind<arg_min>} : vector<1024x8192xf32> -> vector<8192xi32>
      %broadcast_in_dim3A_93 = vector.shape_cast %argmin3A_92 : vector<8192xi32> to vector<1x8192xi32>
      %mul3A_94 = arith.constant 1024 : i32
      %mul3A_95 = arith.muli %add3A_72, %mul3A_94 : i32
      %add3A_96 = vector.broadcast %mul3A_95 : i32 to vector<1x8192xi32>
      %add3A_97 = arith.addi %broadcast_in_dim3A_93, %add3A_96 : vector<1x8192xi32>
      %max3A_98 = arith.constant 0.000000e+00 : f32
      %max3A_99 = vector.broadcast %max3A_98 : f32 to vector<1x8192xf32>
      %max3A_100 = arith.maximumf %broadcast_in_dim3A_91, %max3A_99 : vector<1x8192xf32>
      %sqrt3A_101 = math.sqrt %max3A_100 : vector<1x8192xf32>
      %lt3A = arith.cmpf olt, %sqrt3A_101, %sqrt3A : vector<1x8192xf32>
      %select_n3A = arith.select %lt3A, %sqrt3A_101, %sqrt3A : vector<1x8192xi1>, vector<1x8192xf32>
      %select_n3A_102 = arith.select %lt3A, %add3A_97, %add3A_66 : vector<1x8192xi1>, vector<1x8192xi32>
      %lt3A_103 = arith.cmpf olt, %select_n3A, %scan3A_40 : vector<1x8192xf32>
      %convert_element_type3A_104 = arith.truncf %select_n3A : vector<1x8192xf32> to vector<1x8192xbf16>
      %convert_element_type3A_105 = arith.extf %convert_element_type3A_104 : vector<1x8192xbf16> to vector<1x8192xf32>
      %select_n3A_106 = arith.select %lt3A_103, %convert_element_type3A_105, %scan3A_40 : vector<1x8192xi1>, vector<1x8192xf32>
      %select_n3A_107 = arith.select %lt3A_103, %select_n3A_102, %scan3A_41 : vector<1x8192xi1>, vector<1x8192xi32>
      %min3A = arith.minimumf %scan3A_42, %select_n3A : vector<1x8192xf32>
      scf.yield %select_n3A_106, %select_n3A_107, %min3A : vector<1x8192xf32>, vector<1x8192xi32>, vector<1x8192xf32>
    }
    %scan3A_16 = arith.constant 4 : i32
    %swap3A = arith.constant 0 : index
    %swap3A_17 = arith.constant 0 : index
    %swap3A_18 = arith.constant 0 : index
    %swap3A_19 = vector.load %arg5[%swap3A, %swap3A_17, %swap3A_18] : memref<1x1x8192xi32, #tpu.memory_space<vmem>>, vector<1x1x8192xi32>
    %swap3A_20 = vector.shape_cast %swap3A_19 : vector<1x1x8192xi32> to vector<1x8192xi32>
    %swap3A_21 = vector.shape_cast %scan3A_15#1 : vector<1x8192xi32> to vector<1x1x8192xi32>
    tpu.vector_store %arg5[%swap3A, %swap3A_17, %swap3A_18], %swap3A_21 {strides = array<i32>} : memref<1x1x8192xi32, #tpu.memory_space<vmem>>, vector<1x1x8192xi32>,
    %eq3A = arith.constant 0 : i32
    %eq3A_22 = arith.cmpi eq, %arg0, %eq3A : i32
    %convert_element_type3A = arith.extui %eq3A_22 : i1 to i32
    %cond3A = arith.constant 0 : i32
    %cond3A_23 = arith.cmpi ne, %convert_element_type3A, %cond3A : i32
    scf.if %cond3A_23 {
      %broadcast_in_dim3A_39 = arith.constant 0.000000e+00 : f32
      %broadcast_in_dim3A_40 = vector.broadcast %broadcast_in_dim3A_39 : f32 to vector<1x1xf32>
      %swap3A_41 = arith.constant 0 : index
      %swap3A_42 = arith.constant 0 : index
      %swap3A_43 = vector.load %arg6[%swap3A_41, %swap3A_42] : memref<1x1xf32, #tpu.memory_space<vmem>>, vector<1x1xf32>
      tpu.vector_store %arg6[%swap3A_41, %swap3A_42], %broadcast_in_dim3A_40 {strides = array<i32>} : memref<1x1xf32, #tpu.memory_space<vmem>>, vector<1x1xf32>,
    } else {
    }
    %get3A_24 = arith.constant 0 : index
    %get3A_25 = arith.constant 0 : index
    %get3A_26 = vector.load %arg6[%get3A_24, %get3A_25] : memref<1x1xf32, #tpu.memory_space<vmem>>, vector<1x1xf32>
    %mul3A = arith.mulf %scan3A_15#2, %scan3A_15#2 : vector<1x8192xf32>
    %reduce_sum3A = vector.shape_cast %mul3A : vector<1x8192xf32> to vector<1x1x8192xf32>
    %reduce_sum3A_27 = arith.constant dense<0.000000e+00> : vector<1xf32>
    %reduce_sum3A_28 = vector.multi_reduction <add>, %reduce_sum3A, %reduce_sum3A_27 [1, 2] : vector<1x1x8192xf32> to vector<1xf32>
    %reduce_sum3A_29 = vector.shape_cast %reduce_sum3A_28 : vector<1xf32> to vector<1x1x1xf32>
    %reduce_sum3A_30 = vector.extract %reduce_sum3A_29[0, 0, 0] : f32 from vector<1x1x1xf32>
    %reshape3A = vector.broadcast %reduce_sum3A_30 : f32 to vector<1x1xf32>
    %add3A = arith.addf %get3A_26, %reshape3A : vector<1x1xf32>
    %swap3A_31 = arith.constant 0 : index
    %swap3A_32 = arith.constant 0 : index
    %swap3A_33 = vector.load %arg6[%swap3A_31, %swap3A_32] : memref<1x1xf32, #tpu.memory_space<vmem>>, vector<1x1xf32>
    tpu.vector_store %arg6[%swap3A_31, %swap3A_32], %add3A {strides = array<i32>} : memref<1x1xf32, #tpu.memory_space<vmem>>, vector<1x1xf32>,
    %eq3A_34 = arith.constant 0 : i32
    %eq3A_35 = arith.cmpi eq, %arg0, %eq3A_34 : i32
    %convert_element_type3A_36 = arith.extui %eq3A_35 : i1 to i32
    %cond3A_37 = arith.constant 0 : i32
    %cond3A_38 = arith.cmpi ne, %convert_element_type3A_36, %cond3A_37 : i32
    scf.if %cond3A_38 {
      %get3A_39 = arith.constant 0 : index
      %get3A_40 = arith.constant 0 : index
      %get3A_41 = vector.load %arg6[%get3A_39, %get3A_40] : memref<1x1xf32, #tpu.memory_space<vmem>>, vector<1x1xf32>
      %mul3A_42 = arith.constant 3.81469727E-6 : f32
      %mul3A_43 = vector.broadcast %mul3A_42 : f32 to vector<1x1xf32>
      %mul3A_44 = arith.mulf %get3A_41, %mul3A_43 : vector<1x1xf32>
      %swap3A_45 = arith.constant 0 : index
      %swap3A_46 = arith.constant 0 : index
      %swap3A_47 = vector.load %arg6[%swap3A_45, %swap3A_46] : memref<1x1xf32, #tpu.memory_space<vmem>>, vector<1x1xf32>
      tpu.vector_store %arg6[%swap3A_45, %swap3A_46], %mul3A_44 {strides = array<i32>} : memref<1x1xf32, #tpu.memory_space<vmem>>, vector<1x1xf32>,
    } else {
    }
    return
  }
  func.func @transform_0(%arg0: i32) -> (i32, i32) {
    %c0_i32 = arith.constant 0 : i32
    %c0_i32_0 = arith.constant 0 : i32
    return %c0_i32, %arg0 : i32, i32
  }
  func.func @transform_1(%arg0: i32) -> (i32, i32) {
    %c0_i32 = arith.constant 0 : i32
    %c0_i32_0 = arith.constant 0 : i32
    %c0_i32_1 = arith.constant 0 : i32
    return %c0_i32, %c0_i32_0 : i32, i32
  }
  func.func @transform_2(%arg0: i32) -> (i32, i32) {
    %c0_i32 = arith.constant 0 : i32
    %c0_i32_0 = arith.constant 0 : i32
    %c0_i32_1 = arith.constant 0 : i32
    return %c0_i32, %c0_i32_0 : i32, i32
  }
  func.func @transform_3(%arg0: i32) -> (i32, i32, i32) {
    %c0_i32 = arith.constant 0 : i32
    %c0_i32_0 = arith.constant 0 : i32
    %c0_i32_1 = arith.constant 0 : i32
    return %arg0, %c0_i32, %c0_i32_0 : i32, i32, i32
  }
  func.func @transform_4(%arg0: i32) -> (i32, i32, i32) {
    %c0_i32 = arith.constant 0 : i32
    %c0_i32_0 = arith.constant 0 : i32
    %c0_i32_1 = arith.constant 0 : i32
    return %arg0, %c0_i32, %c0_i32_0 : i32, i32, i32
  }
  func.func @transform_5(%arg0: i32) -> (i32, i32) {
    %c0_i32 = arith.constant 0 : i32
    %c0_i32_0 = arith.constant 0 : i32
    %c0_i32_1 = arith.constant 0 : i32
    return %c0_i32, %c0_i32_0 : i32, i32
  }
}

</mosaic_0001>

<sc_bundles>
// kernel: kernel.4.cloned.1.call-start
scs
__scs_entry_jumppad:
0x0: {  	(pc) =	sbr.rel $0x88, $3  }
0x1: {  	(tag) =	ssettag $0x0;
	lr =	simm.s32 $0x1  }
0x2: {  	[smem:$0x3F9F] =	sst lr;
	_ =	strace $0xD0000000  }
0x3: {  	_ = 	snop  }
0x4: {  	_ = 	snop  }
0x5: {  	_ = 	snop  }
0x6: {  	_ = 	snop  }
0x7: {  	_ = 	snop  }
__scs_overlays_trampoline_lowered:
0x8: {  	[smem:$0x3FAE] =	sst s0  }
0x9: {  	[smem:$0x3FAF] =	sst s1  }
0xa: {  	[smem:$0x3FB0] =	sst s2  }
0xb: {  	[smem:$0x3FB1] =	sst s3  }
0xc: {  	[smem:$0x3FB2] =	sst s4  }
0xd: {  	[smem:$0x3FB3] =	sst s5  }
0xe: {  	[smem:$0x3FB4] =	sst s6  }
0xf: {  	[smem:$0x3FB5] =	sst s7  }
0x10: {  	[smem:$0x3FB6] =	sst s8  }
0x11: {  	[smem:$0x3FB7] =	sst s9;
	s0 =	simm.s32 @!p0 $0x0  }
0x12: {  	s1 =	sld [smem:$0x3F9D];
	s0 =	simm.s32 @p0 $0x1  }
0x13: {  	[smem:$0x3FB8] =	sst s0;
	s0 =	simm.s32 @!p1 $0x0  }
0x14: {  	s2 =	sld [smem:$0x3F9C];
	s0 =	simm.s32 @p1 $0x1  }
0x15: {  	[smem:$0x3FB9] =	sst s0;
	s0 =	simm.s32 @!p2 $0x0  }
0x16: {  	s3 =	sld [smem:$0x3FDB];
	s0 =	simm.s32 @p2 $0x1  }
0x17: {  	s4 =	simm.s32 $0x1BF5;
	[smem:$0x3FBB] =	sst s0  }
0x18: {  	s0 =	sld [smem:$0x3F9E];
	_ =	swait.ge [sflag:s4], $0x0  }
0x19: {  	s7 =	sld [smem:$0x3F9F]  }
0x1a: {  	s8 =	sadd.s32 $0xFFFFE003, lr  }
0x1b: {  	s9 =	sadd.s32 $0xFFFFFEF7, lr;
	s5 =	simm.s32 $0xFFFFFFFF;
	p2 =	slt.u32 s8, $0xFFFFF086  }
0x1c: {  	p1 =	slt.u32 s9, $0xF7A;
	s5 =	simm.s32 @!p2 $0x0  }
0x1d: {  	s5 =	simm.s32 @p1 $0x1;
	p0 =	seq.s32 s7, s2  }
0x1e: {  	s7 =	smul.u32 @!p0 $0xF7A, s2;
	p2 =	seq.s32 @!p0 s5, $0x0  }
0x1f: {  	s9 =	smul.u32 $0xF7A, s1;
	s8 =	simm.s32 @!p0 $0x1BF5;
	p2 =	por !p2, p0  }
0x20: {  	[sflag:s8] =	ssyncset.s32 @!p0 $0xFFFFF086;
	s6 =	sadd.s32 @!p0 s3, s7;
	s7 =	simm.s32 @!p0 $0x108  }
0x21: {  	s3 =	sadd.s32 s3, s9;
	s6 =	sadd.s32 @!p0 $0x88, s6;
	s7 =	simm.s32 @p2 $0x1082  }
0x22: {  	[simem:s7], [sflag:s8] =	dma.local @!p0 [hbm:s6], $0xF7A  }
0x23: {  	s9 =	sor.u32 $0xD0000000, s2;
	s6 =	simm.s32 $0x108;
	_ =	swait.ge @!p0 [sflag:s8], $0x0  }
0x24: {  	s3 =	sadd.s32 $0x88, s3;
	s6 =	simm.s32 @!p1 $0x1082;
	[sflag:s4] =	ssyncset.s32 $0xFFFFF086  }
0x25: {  	[simem:s6], [sflag:s4] =	dma.local [hbm:s3], $0xF7A  }
0x26: {  	[smem:$0x3F9F] =	sst s1;
	(tag) =	ssettag s2;
	_ =	strace s9  }
0x27: {  	s1 =	sld [smem:$0x3FAF]  }
0x28: {  	s2 =	sld [smem:$0x3FB0]  }
0x29: {  	s4 =	sld [smem:$0x3FB2]  }
0x2a: {  	p0 =	seq.s32 s5, $0x0;
	s5 =	sld [smem:$0x3FB3]  }
0x2b: {  	s6 =	sld [smem:$0x3FB4]  }
0x2c: {  	s7 =	sld [smem:$0x3FB5]  }
0x2d: {  	s3 =	simm.s32 $0x108;
	s8 =	sld [smem:$0x3FB6]  }
0x2e: {  	s3 =	simm.s32 @!p0 $0x1082;
	s9 =	sld [smem:$0x3FB7]  }
0x2f: {  	lr =	sadd.s32 s0, s3;
	s0 =	sld [smem:$0x3FAE]  }
0x30: {  	s3 =	sld [smem:$0x3FB1]  }
0x31: {  	[smem:$0x3FBA] =	sst s10  }
0x32: {  	s10 =	sld [smem:$0x3FB8];
	_ =	sdelay $0x3  }
0x33: {  	p0 =	seq.s32 s10, $0x1;
	s10 =	sld [smem:$0x3FBA];
	_ =	sdelay $0x3  }
0x34: {  	[smem:$0x3FBA] =	sst s10  }
0x35: {  	s10 =	sld [smem:$0x3FB9];
	_ =	sdelay $0x3  }
0x36: {  	p1 =	seq.s32 s10, $0x1;
	s10 =	sld [smem:$0x3FBA];
	_ =	sdelay $0x3  }
0x37: {  	[smem:$0x3FBA] =	sst s10  }
0x38: {  	s10 =	sld [smem:$0x3FBB]  }
0x39: {  	_ = 	snop;
	(pc) =	sbr.ind lr, $3  }
0x3a: {  	_ = 	snop  }
0x3b: {  	_ = 	snop  }
0x3c: {  	p2 =	seq.s32 s10, $0x1;
	s10 =	sld [smem:$0x3FBA]  }
0x3d: {  	_ =	shalt  }
0x3e: {  	_ =	shalt  }
0x3f: {  	_ =	shalt  }
0x40: {  	_ =	shalt  }
0x41: {  	_ =	shalt  }
0x42: {  	_ =	shalt  }
0x43: {  	_ =	shalt  }
0x44: {  	_ =	shalt  }
0x45: {  	_ =	shalt  }
0x46: {  	_ =	shalt  }
0x47: {  	_ =	shalt  }
0x48: {  	_ =	shalt  }
0x49: {  	_ =	shalt  }
0x4a: {  	_ =	shalt  }
0x4b: {  	_ =	shalt  }
0x4c: {  	_ =	shalt  }
0x4d: {  	_ =	shalt  }
0x4e: {  	_ =	shalt  }
0x4f: {  	_ =	shalt  }
0x50: {  	_ =	shalt  }
0x51: {  	_ =	shalt  }
0x52: {  	_ =	shalt  }
0x53: {  	_ =	shalt  }
0x54: {  	_ =	shalt  }
0x55: {  	_ =	shalt  }
0x56: {  	_ =	shalt  }
0x57: {  	_ =	shalt  }
0x58: {  	_ =	shalt  }
0x59: {  	_ =	shalt  }
0x5a: {  	_ =	shalt  }
0x5b: {  	_ =	shalt  }
0x5c: {  	_ =	shalt  }
0x5d: {  	_ =	shalt  }
0x5e: {  	_ =	shalt  }
0x5f: {  	_ =	shalt  }
0x60: {  	_ =	shalt  }
0x61: {  	_ =	shalt  }
0x62: {  	_ =	shalt  }
0x63: {  	_ =	shalt  }
0x64: {  	_ =	shalt  }
0x65: {  	_ =	shalt  }
0x66: {  	_ =	shalt  }
0x67: {  	_ =	shalt  }
0x68: {  	_ =	shalt  }
0x69: {  	_ =	shalt  }
0x6a: {  	_ =	shalt  }
0x6b: {  	_ =	shalt  }
0x6c: {  	_ =	shalt  }
0x6d: {  	_ =	shalt  }
0x6e: {  	_ =	shalt  }
0x6f: {  	_ =	shalt  }
0x70: {  	_ =	shalt  }
0x71: {  	_ =	shalt  }
0x72: {  	_ =	shalt  }
0x73: {  	_ =	shalt  }
0x74: {  	_ =	shalt  }
0x75: {  	_ =	shalt  }
0x76: {  	_ =	shalt  }
0x77: {  	_ =	shalt  }
0x78: {  	_ =	shalt  }
0x79: {  	_ =	shalt  }
0x7a: {  	_ =	shalt  }
0x7b: {  	_ =	shalt  }
0x7c: {  	_ =	shalt  }
0x7d: {  	_ =	shalt  }
0x7e: {  	_ =	shalt  }
0x7f: {  	_ =	shalt  }
0x80: {  	_ =	shalt  }
0x81: {  	_ =	shalt  }
0x82: {  	_ =	shalt  }
0x83: {  	_ =	shalt  }
0x84: {  	_ =	shalt  }
0x85: {  	_ =	shalt  }
0x86: {  	_ =	shalt  }
0x87: {  	_ =	shalt  }
.Lfunc_end0:
.L_simem_size_0:
called_computation_lowered:
.L_overlay_start_0:
0x88: {  	s2 =	sld [smem:$0x3FD9]  }
0x89: {  	s3 =	sld [smem:$0x3FFE];
	_ =	sdelay $0x1  }
0x8a: {  	s1 =	srdreg.scid  }
0x8b: {  	s0 =	sand.u32 $0x1, s1  }
0x8c: {  	s14 =	sshll.u32 s0, $0xA;
	s2 =	sadd.s32 s3, s2  }
0x8d: {  	s2 =	sadd.s32 s2, s14  }
0x8e: {  	[smem:$0x3FC6] =	sst s2  }
0x8f: {  	_ = 	snop  }
0x90: {  	s2 =	sld [smem:$0x3FD0];
	_ =	sdelay $0x2  }
0x91: {  	s15 =	simm.s32 $0xA;
	s4 =	simm.s32 $0x10  }
0x92: {  	[smem:s4], [sflag:s15] =	dma.local [hbm:s2], $0x1  }
0x93: {  	_ =	swait.eq [sflag:s15], $0x1  }
0x94: {  	[sflag:s15] =	ssyncset.done $0x0  }
0x95: {  	s16 =	sld [smem:$0x10];
	[sflag:s15] =	ssyncadd.s32 $0xFFFFFFFF  }
0x96: {  	s17 =	sld [smem:$0x12];
	(tm) =	ssettm $0x1  }
0x97: {  	s18 =	sld [smem:$0x3FFB];
	_ =	sdelay $0x3  }
0x98: {  	_ =	strace s18  }
0x99: {  	s4 =	sld [smem:$0x3FFC];
	_ =	sdelay $0x3  }
0x9a: {  	_ =	strace s4  }
0x9b: {  	s4 =	sld [smem:$0x3FFD];
	_ =	sdelay $0x3  }
0x9c: {  	_ =	strace s4  }
0x9d: {  	_ =	strace $0x8FFFFFFF  }
0x9e: {  	s19 =	sld [smem:$0x3FDB];
	_ =	sdelay $0x1  }
0x9f: {  	s5 =	simm.s32 $_scs_section_size  }
0xa0: {  	s6 =	simm.s32 $_size__tile_overlayer_lowered;
	s7 =	simm.s32 $_tile_overlayer_lowered  }
0xa1: {  	s22 =	simm.s32 $0x1BFF;
	s21 =	sshll.u32 s7, $0x1;
	s4 =	sadd.s32 s5, s19  }
0xa2: {  	s8 =	simm.s32 $0x0;
	s20 =	sshll.u32 s6, $0x1;
	s6 =	sadd.s32 s21, s4  }
0xa3: {  	[timem:s8], [sflag:s22] =	dma.local [hbm:s6], s20  }
0xa4: {  	_ =	swait.ge [sflag:s22], s20  }
0xa5: {  	s5 =	ssub.s32 $0x0, s20;
	[sflag:s22] =	ssyncset.done $0x0  }
0xa6: {  	[sflag:s22] =	ssyncadd.s32 s5;
	_ =	sdelay $0x1  }
0xa7: {  	s23 =	simm.s32 $0x1B8B  }
0xa8: {  	_ =	swait.ge [sflag:s23], $0x1  }
0xa9: {  	[sflag:s23] =	ssyncset.done $0x0  }
0xaa: {  	s25 =	simm.s32 $0x1B8E;
	s24 =	sld [smem:$0x3FFE];
	[sflag:s23] =	ssyncadd.s32 $0xFFFFFFFF  }
0xab: {  	s26 =	simm.s32 $execute0_lowered;
	[smem:$0x3FD2] =	sst s25  }
0xac: {  	s6 =	sshll.u32 s26, $0x1;
	_ =	strace $0x80000046;
	[dreg:$0x1] =	wrdreg $0xFFFFFFFF  }
0xad: {  	s28 =	simm.s32 $_size_execute0_lowered;
	s4 =	sadd.s32 s4, s6;
	[dreg:$0x0] =	wrdreg $0x0  }
0xae: {  	s6 =	sshll.u32 s28, $0x1;
	[dreg:$0x2] =	wrdreg s4  }
0xaf: {  	[dreg:$0x3] =	wrdreg s6  }
0xb0: {  	[dreg:$0x4] =	wrdreg $0xC0  }
0xb1: {  	_ =	task [dreg:s8], $0x5FFFF  }
0xb2: {  	[dreg:$0x1] =	wrdreg $0xFFFFFFFF  }
0xb3: {  	[dreg:$0x0] =	wrdreg $0x60  }
0xb4: {  	[dreg:$0x2] =	wrdreg s16  }
0xb5: {  	[dreg:$0x3] =	wrdreg s17  }
0xb6: {  	[dreg:$0x4] =	wrdreg s24  }
0xb7: {  	[dreg:$0x5] =	wrdreg $0x9  }
0xb8: {  	_ =	task.clear_ibuf [dreg:s8], $0x6FFFF;
	_ =	strace $0x90000046  }
0xb9: {  	s29 =	simm.s32 $0x9;
	_ =	strace $0x80000048  }
0xba: {  	_ =	swait.ge [sflag:s29], $0x1  }
0xbb: {  	[sflag:s29] =	ssyncadd.s32 $0xFFFFFFFF  }
0xbc: {  	_ =	strace $0x90000048  }
0xbd: {  	_ =	sfence  }
0xbe: {  	s30 =	sld [smem:$0x0];
	_ =	sdelay $0x2  }
0xbf: {  	s31 =	sshll.u32 s1, $0xD;
	s1 =	sshrl.u32 s1, $0x2  }
0xc0: {  	s3 =	sand.u32 $0x4000, s31;
	s1 =	sadd.s32 s1, s30  }
0xc1: {  	s0 =	sor.u32 s3, s0;
	s1 =	sshll.u32 s1, $0x11  }
0xc2: {  	s0 =	sor.u32 s1, s0  }
0xc3: {  	s0 =	sadd.s32 $0x8F2B, s0  }
0xc4: {  	[sflag:s0] =	ssyncadd.remote.s32 $0x1  }
0xc5: {  	_ =	sfence.sel $0xFFFF  }
0xc6: {  	[dreg:$0x0] =	wrdreg $0xFFFFFFFF;
	(pc) =	sbr.abs _section_cstart, $3  }
0xc7: {  	[dreg:$0x1] =	wrdreg $0xFFFFFFFF  }
0xc8: {  	_ =	task.clear_ibuf [dreg:s8], $0x2FFFF;
	_ =	strace $0x9FFFFFFF  }
0xc9: {  	(tm) =	ssettm $0x7FFFFFFF  }
tec
execute0_lowered:
.L_overlay_start_1:
0x0: {  	(tag) =	ssettag $0x1  }
0x1: {  	s1 =	rddreg [dreg:$0x0]  }
0x2: {  	s2 =	srdreg.scid;
	s4 =	rddreg [dreg:$0x1]  }
0x3: {  	s0 =	stileid.u32;
	s8 =	rddreg [dreg:$0x2];
	s6 =	sand.u32 $0x1, s2  }
0x4: {  	s3 =	simm.s32 $0x0;
	s5 =	sshll.u32 s0, $0x9;
	s7 =	sshll.u32 s6, $0x8  }
0x5: {  	[smem:$0x7FF] =	sst s3;
	s9 =	sor.u32 s7, s5  }
0x6: {  	s2 =	rddreg [dreg:$0x3];
	_ =	strace $0x80000047;
	s5 =	sshrl.u32 s9, $0x3  }
0x7: {  	s10 =	ssub.s32 $0x2, s6;
	s5 =	sadd.s32 s4, s5;
	s4 =	simm.s32 $0x2  }
0x8: {  	[tilespmem:s3], [sflag:$0x2] =	stream.linear.gather [hbm4b:s5+s3], $0x100, $0x38;
	[tilespmem:$0x2100] =	vst v63  }
0x9: {  	s11 =	sshrl.u32 s10, $0x1;
	_ =	swait.ge [sflag:s4], $0x100  }
0xa: {  	s6 =	simm.s32 $0x100;
	s10 =	ssub.s32 s10, s11;
	[sflag:s4] =	ssyncset.done $0x0  }
0xb: {  	s7 =	simm.s32 $0x1;
	s31 =	smax.u32 s10, $0x1;
	[sflag:s4] =	ssyncadd.s32 $0xFFFFFF00  }
0xc: {  	[tilespmem:s6], [sflag:$0x1] =	stream.indirect.gather [hbm4b:s1+s6], $0x20, s3, s6, $0xb8;
	[tilespmem:$0x2100] =	vst v63  }
0xd: {  	p0 =	sne.s32 s31, $0x1;
	_ =	swait.ge [sflag:s7], $0x2000  }
.Ltmp0:
0xe: {  	s9 =	sshll.u32 s9, $0x2;
	[sflag:s7] =	ssyncset.done $0x0;
	(pc) =	sbr.rel @!p0 .LBB2_2-.Ltmp0, $4  }
0xf: {  	s8 =	sadd.s32 s8, s9;
	[sflag:s7] =	ssyncadd.s32 $0xFFFFE000  }
0x10: {  	[hbm4b:s8+s3] =	stream.linear.scatter [tilespmem:s6], [sflag:$0x2], $0x2000, $0x38;
	[tilespmem:$0x2100] =	vst v63  }
0x11: {  	_ =	swait.ge [sflag:s4], $0x2000  }
0x12: {  	s9 =	sadd.s32 $0xFFFFFFFF, s31;
	[sflag:s4] =	ssyncset.done $0x0  }
.LBB2_1:
0x13: {  	p0 =	sne.s32 s9, $0x1;
	s9 =	sadd.s32 $0xFFFFFFFF, s9;
	[sflag:s4] =	ssyncadd.s32 $0xFFFFE000  }
0x14: {  	[tilespmem:s3], [sflag:$0x2] =	stream.linear.gather [hbm4b:s5+s3], $0x100, $0x38;
	[tilespmem:$0x2100] =	vst v63  }
0x15: {  	_ =	swait.ge [sflag:s4], $0x100  }
0x16: {  	[sflag:s4] =	ssyncset.done $0x0  }
0x17: {  	[sflag:s4] =	ssyncadd.s32 $0xFFFFFF00  }
0x18: {  	[tilespmem:s6], [sflag:$0x1] =	stream.indirect.gather [hbm4b:s1+s6], $0x20, s3, s6, $0xb8;
	[tilespmem:$0x2100] =	vst v63  }
0x19: {  	_ =	swait.ge [sflag:s7], $0x2000  }
.Ltmp1:
0x1a: {  	[sflag:s7] =	ssyncset.done $0x0;
	(pc) =	sbr.rel @p0 .LBB2_1-.Ltmp1, $4  }
0x1b: {  	[sflag:s7] =	ssyncadd.s32 $0xFFFFE000  }
0x1c: {  	[hbm4b:s8+s3] =	stream.linear.scatter [tilespmem:s6], [sflag:$0x2], $0x2000, $0x38;
	[tilespmem:$0x2100] =	vst v63  }
0x1d: {  	_ =	swait.ge [sflag:s4], $0x2000  }
0x1e: {  	[sflag:s4] =	ssyncset.done $0x0  }
.LBB2_2:
0x1f: {  	[sflag:s4] =	ssyncadd.s32 $0xFFFFE000  }
0x20: {  	_ =	sfence.sel $0x180000  }
0x21: {  	[bflag:$0x0] =	sbarrier.arrive $0xFFFF  }
0x22: {  	p0 =	sne.s32 s0, $0x0;
	_ =	strace $0x90000047  }
0x23: {  	s0 =	sadd.s32 @!p0 $0x100000, s2;
	[bflag:$0x2] =	sbarrier.arrive $0xFFFF  }
0x24: {  	[sflag:s0] =	ssyncadd.tile.s32 @!p0 $0x1;
	_ =	shalt  }
.Lfunc_end2:
_tile_overlayer_lowered:
.L_overlay_start_2:
0x25: {  	(tag) =	ssettag $0x2  }
0x26: {  	s0 =	rddreg [dreg:$0x0];
	s2 =	stileid.u32  }
0x27: {  	s1 =	rddreg [dreg:$0x1];
	p0 =	sne.s32 s2, $0x0  }
0x28: {  	s3 =	rddreg [dreg:$0x2];
	[bflag:$0x3] =	sbarrier.arrive $0xFFFF;
	s2 =	simm.s32 @!p0 $0x1C02  }
0x29: {  	[timem:s3], [sflag:s2] =	dma.local @!p0 [hbm:s0], s1  }
0x2a: {  	s0 =	simm.s32 @!p0 $0x2  }
0x2b: {  	_ =	swait.ge @!p0 [sflag:s0], s1  }
0x2c: {  	s1 =	ssub.s32 @!p0 $0x0, s1;
	[sflag:s0] =	ssyncset.done @!p0 $0x0  }
0x2d: {  	[sflag:s0] =	ssyncadd.s32 @!p0 s1  }
0x2e: {  	[bflag:$0x3] =	sbarrier.arrive $0xFFFF  }
0x2f: {  	_ =	shalt  }

</sc_bundles>
